<compile_context>
chip_gen: v7x
topology: tpu7x:2x2x1
jax: 0.10.2.dev20260603
libtpu: 0.0.44.dev20260713+nightly
codegen_flags: <defaults>
</compile_context>

<pallas_src>
import functools

import jax
import jax.numpy as jnp
from jax.experimental import pallas as pl
from jax.experimental.pallas import tpu as pltpu
from jax.experimental.pallas import tpu_sc as plsc

_N = 20000
_NUM_CLASSES = 81
_NMS_IOU = 0.5
_MAX_OUT = 200
_SCORE_THR = 0.05
_NEG = -1e30
_LANES = 128
_ROWS = (_N + _LANES - 1) // _LANES
_NPAD = _ROWS * _LANES
_TILES = 32
_RPT = 640
_NSC = _TILES * _RPT


def _stage1_sc(confsT_hbm, work_hbm, cat_hbm, buf, wbuf, cbuf):
    wid = jax.lax.axis_index("s") * 2 + jax.lax.axis_index("c")
    base = wid * _RPT
    pltpu.sync_copy(confsT_hbm.at[:, pl.ds(base, _RPT)], buf)

    def block(b, _):
        j0 = b * 16
        m = buf[0, pl.ds(j0, 16)]
        cat0 = jnp.zeros((16,), jnp.int32)

        def cls(c, carry):
            mm, cc = carry
            v = buf[c, pl.ds(j0, 16)]
            gt = v > mm
            return jnp.where(gt, v, mm), jnp.where(gt, c, cc)

        m, cat = jax.lax.fori_loop(1, _NUM_CLASSES, cls, (m, cat0))
        valid = jnp.logical_and(m > _SCORE_THR, cat != 0)
        wbuf[pl.ds(j0, 16)] = jnp.where(valid, m, _NEG)
        cbuf[pl.ds(j0, 16)] = cat.astype(jnp.float32)
        return 0

    jax.lax.fori_loop(0, _RPT // 16, block, 0)
    pltpu.sync_copy(wbuf, work_hbm.at[pl.ds(base, _RPT)])
    pltpu.sync_copy(cbuf, cat_hbm.at[pl.ds(base, _RPT)])


@functools.cache
def _sc_stage1():
    return pl.kernel(
        _stage1_sc,
        mesh=plsc.VectorSubcoreMesh(core_axis_name="c", subcore_axis_name="s"),
        out_type=[
            jax.ShapeDtypeStruct((_NSC,), jnp.float32),
            jax.ShapeDtypeStruct((_NSC,), jnp.float32),
        ],
        scratch_types=[
            pltpu.VMEM((_NUM_CLASSES, _RPT), jnp.float32),
            pltpu.VMEM((_RPT,), jnp.float32),
            pltpu.VMEM((_RPT,), jnp.float32),
        ],
    )


def _nms_kernel(boxes_ref, work_in_ref, cat_in_ref, out_ref,
                x1_ref, y1_ref, x2_ref, y2_ref, cat_ref, a2_ref):
    work0 = work_in_ref[...]
    catf = cat_in_ref[...]

    x1 = boxes_ref[:, 0, :]
    y1 = boxes_ref[:, 1, :]
    x2 = boxes_ref[:, 2, :]
    y2 = boxes_ref[:, 3, :]
    max_coord = jnp.max(jnp.maximum(jnp.maximum(x1, y1), jnp.maximum(x2, y2)))
    off = catf * (max_coord + 1.0)
    x1_ref[...] = x1 + off
    y1_ref[...] = y1 + off
    x2_ref[...] = x2 + off
    y2_ref[...] = y2 + off
    cat_ref[...] = catf
    a2_ref[...] = (x2_ref[...] - x1_ref[...]) * (y2_ref[...] - y1_ref[...])
    lin = (
        jax.lax.broadcasted_iota(jnp.int32, (_ROWS, _LANES), 0) * _LANES
        + jax.lax.broadcasted_iota(jnp.int32, (_ROWS, _LANES), 1)
    )
    lane = jax.lax.broadcasted_iota(jnp.int32, (1, _LANES), 1)

    def _pick(ref, r, onehot):
        return jnp.sum(jnp.where(onehot, ref[pl.ds(r, 1), :], 0.0))

    def body(t, work):
        m = jnp.max(work)
        idx = jnp.min(jnp.where(work == m, lin, _NPAD))
        r = idx // _LANES
        onehot = lane == (idx - r * _LANES)
        x1s = _pick(x1_ref, r, onehot)
        y1s = _pick(y1_ref, r, onehot)
        x2s = _pick(x2_ref, r, onehot)
        y2s = _pick(y2_ref, r, onehot)
        cs = _pick(cat_ref, r, onehot)
        ltx = jnp.maximum(x1s, x1_ref[...])
        lty = jnp.maximum(y1s, y1_ref[...])
        rbx = jnp.minimum(x2s, x2_ref[...])
        rby = jnp.minimum(y2s, y2_ref[...])
        w = jnp.maximum(rbx - ltx, 0.0)
        h = jnp.maximum(rby - lty, 0.0)
        inter = w * h
        area1 = (x2s - x1s) * (y2s - y1s)
        iou = inter / (area1 + a2_ref[...] - inter + 1e-9)
        new_work = jnp.where(iou > _NMS_IOU, _NEG, work)
        vm = (m > _NEG / 2).astype(jnp.float32)
        offs = cs * (max_coord + 1.0)
        vals = (x1s - offs, y1s - offs, x2s - offs, y2s - offs, m, cs)
        row = jnp.zeros((1, _LANES), jnp.float32)
        for k, v in enumerate(vals):
            row = row + jnp.where(lane == k, v * vm, 0.0)
        out_ref[pl.ds(t, 1), :] = row
        return new_work

    jax.lax.fori_loop(0, _MAX_OUT, body, work0)


def _run(boxes3, work2, cat2, interpret=False):
    return pl.pallas_call(
        _nms_kernel,
        out_shape=jax.ShapeDtypeStruct((_MAX_OUT, _LANES), jnp.float32),
        scratch_shapes=[pltpu.VMEM((_ROWS, _LANES), jnp.float32)] * 6,
        interpret=interpret,
    )(boxes3, work2, cat2)


def kernel(boxes, confs, max_output):
    confs_p = jnp.pad(confs, ((0, _NSC - _N), (0, 0)), constant_values=-1.0)
    work, catf = _sc_stage1()(confs_p.T)
    work2 = work[:_NPAD].reshape(_ROWS, _LANES)
    cat2 = catf[:_NPAD].reshape(_ROWS, _LANES)
    boxes_p = jnp.pad(boxes, ((0, _NPAD - _N), (0, 0)))
    boxes3 = boxes_p.reshape(_ROWS, _LANES, 4).transpose(0, 2, 1)
    out = _run(boxes3, work2, cat2)
    mask = jnp.arange(_MAX_OUT) < max_output
    mf = mask.astype(jnp.float32)
    boxes_out = out[:, 0:4] * mf[:, None]
    cats_out = jnp.where(mask, out[:, 5].astype(jnp.int32), 0)
    scores_out = out[:, 4] * mf
    return boxes_out, cats_out, scores_out

# --- scband reference (transcript-rebuilt; emitter-appended) ---
"""Pipeline reference for scband-retina-net-20830591385733 (READ-ONLY COPY).

The authoritative reference and input builder live on the scoring server;
editing this copy changes nothing except your own understanding.
"""

import jax, jax.numpy as jnp
import numpy as np

N = 20000
NUM_CLASSES = 81
NMS_IOU = 0.5
MAX_OUT = 200
SCORE_THR = 0.05
NEG = -1e30


def setup_inputs(seed: int = 0) -> dict:
    key = jax.random.key(seed)
    k1, k2 = jax.random.split(key)
    raw = jax.random.uniform(k1, (N, 4), dtype=jnp.float32)
    x1 = raw[:, 0] * 0.9
    y1 = raw[:, 1] * 0.9
    x2 = x1 + 0.01 + raw[:, 2] * 0.09
    y2 = y1 + 0.01 + raw[:, 3] * 0.09
    boxes = jnp.stack([x1, y1, x2, y2], axis=1)
    confs = jax.random.uniform(k2, (N, NUM_CLASSES), dtype=jnp.float32)
    return {"boxes": boxes, "confs": confs, "max_output": MAX_OUT}


def _iou_one_vs_all(box, boxes):
    lt = jnp.maximum(box[:2], boxes[:, :2])
    rb = jnp.minimum(box[2:], boxes[:, 2:])
    wh = jnp.clip(rb - lt, 0.0)
    inter = wh[:, 0] * wh[:, 1]
    area1 = (box[2] - box[0]) * (box[3] - box[1])
    area2 = (boxes[:, 2] - boxes[:, 0]) * (boxes[:, 3] - boxes[:, 1])
    return inter / (area1 + area2 - inter + 1e-9)


def _filter_predictions(boxes, confs, max_output):
    # scores, category = confs.max(dim=1)
    scores = jnp.max(confs, axis=1)
    category = jnp.argmax(confs, axis=1)
    # mask = (scores > score_threshold) & (category != 0); implemented as fixed-shape
    # masking by setting invalid scores to NEG (class 0 = background excluded)
    valid = jnp.logical_and(scores > SCORE_THR, category != 0)
    work = jnp.where(valid, scores, NEG)
    # batched_nms: offset boxes per-class so cross-class IoU is ~0
    max_coord = jax.lax.stop_gradient(jnp.max(boxes))
    offsets = (category.astype(boxes.dtype) * (max_coord + 1.0))[:, None]
    boxes_off = boxes + offsets
    keep_idx = []
    keep_valid = []
    for _ in range(MAX_OUT):
        i_sel = jnp.argmax(work)
        v = work[i_sel]
        keep_idx.append(i_sel)
        keep_valid.append(v > NEG / 2)
        iou = _iou_one_vs_all(boxes_off[i_sel], boxes_off)
        suppress = iou > NMS_IOU
        work = jnp.where(suppress, NEG, work)
        work = work.at[i_sel].set(NEG)
    keep_idx = jnp.stack(keep_idx)
    keep_valid = jnp.stack(keep_valid)
    keep_valid = jnp.logical_and(keep_valid, jnp.arange(MAX_OUT) < max_output)
    return scores, category, keep_idx, keep_valid


def reference(boxes, confs, max_output=200):
    scores, category, keep_idx, keep_valid = _filter_predictions(boxes, confs, max_output)
    m = keep_valid.astype(boxes.dtype)
    boxes_out = boxes[keep_idx] * m[:, None]
    cats_out = jnp.where(keep_valid, category[keep_idx], 0)
    scores_out = scores[keep_idx] * m
    return boxes_out, cats_out, scores_out

if __name__ == "__main__":
    import jax
    _d = setup_inputs()
    print(jax.jit(kernel)(*tuple(_d.values())))

</pallas_src>

<mosaic_0001>
#map = affine_map<(d0, d1) -> (0, 0)>
#map1 = affine_map<(d0, d1) -> (0)>
module attributes {stable_mosaic.version = 14 : i64} {
  func.func @_stage1_sc(%arg0: i32, %arg1: i32, %arg2: memref<81x20480xf32, #tpu.memory_space<hbm>>, %arg3: memref<20480xf32, #tpu.memory_space<hbm>>, %arg4: memref<20480xf32, #tpu.memory_space<hbm>>, %arg5: memref<81x640xf32, #tpu.memory_space<vmem>>, %arg6: memref<640xf32, #tpu.memory_space<vmem>>, %arg7: memref<640xf32, #tpu.memory_space<vmem>>) attributes {dimension_semantics = [#tpu.dimension_semantics<core_parallel>, #tpu.dimension_semantics<subcore_parallel>], iteration_bounds = array<i64: 2, 16>, scalar_prefetch = 0 : i64, scratch_operands = 3 : i64, tpu.core_type = #tpu.core_type<sc_vector_subcore>, window_params = [{transform_indices = #map}, {transform_indices = #map1}, {transform_indices = #map1}]} {
    %mul3A = arith.constant 2 : i32
    %mul3A_0 = arith.muli %arg1, %mul3A : i32
    %add3A = arith.addi %mul3A_0, %arg0 : i32
    %mul3A_1 = arith.constant 640 : i32
    %mul3A_2 = arith.muli %add3A, %mul3A_1 : i32
    "tpu.region"() ({
      %run_scoped3A = tpu.sem_alloc : memref<!tpu.dma_semaphore, #tpu.memory_space<semaphore_mem>>
      %dma_start3A = arith.constant 0 : i32
      %dma_start3A_9 = tpu.memref_slice %arg2[%dma_start3A, %mul3A_2] : memref<81x20480xf32, #tpu.memory_space<hbm>> -> memref<81x640xf32, #tpu.memory_space<hbm>>
      %dma_start3A_10 = arith.constant 0 : i32
      %dma_start3A_11 = tpu.memref_slice %arg2[%dma_start3A_10, %mul3A_2] : memref<81x20480xf32, #tpu.memory_space<hbm>> -> memref<81x640xf32, #tpu.memory_space<hbm>>
      tpu.enqueue_dma source(%dma_start3A_11 : memref<81x640xf32, #tpu.memory_space<hbm>>) target(%arg5 : memref<81x640xf32, #tpu.memory_space<vmem>>) target_semaphore(%run_scoped3A : memref<!tpu.dma_semaphore, #tpu.memory_space<semaphore_mem>>)
      %dma_wait3A = arith.constant 0 : i32
      %dma_wait3A_12 = tpu.memref_slice %arg2[%dma_wait3A, %mul3A_2] : memref<81x20480xf32, #tpu.memory_space<hbm>> -> memref<81x640xf32, #tpu.memory_space<hbm>>
      %dma_wait3A_13 = arith.constant 0 : i32
      %dma_wait3A_14 = tpu.memref_slice %arg2[%dma_wait3A_13, %mul3A_2] : memref<81x20480xf32, #tpu.memory_space<hbm>> -> memref<81x640xf32, #tpu.memory_space<hbm>>
      tpu.wait_dma2 semaphore(%run_scoped3A : memref<!tpu.dma_semaphore, #tpu.memory_space<semaphore_mem>>) src(%dma_wait3A_14 : memref<81x640xf32, #tpu.memory_space<hbm>>) dst(%arg5 : memref<81x640xf32, #tpu.memory_space<vmem>>)
      tpu.yield
    }) : () -> ()
    %scan3A = arith.constant 0 : i32
    %scan3A_3 = arith.constant 0 : i32
    %scan3A_4 = arith.constant 40 : i32
    %scan3A_5 = arith.addi %scan3A_3, %scan3A_4 : i32
    %scan3A_6 = arith.constant 1 : i32
    %scan3A_7 = scf.for %scan3A_9 = %scan3A_3 to %scan3A_5 step %scan3A_6 iter_args(%scan3A_10 = %scan3A) -> (i32)  : i32 {
      %mul3A_11 = arith.constant 16 : i32
      %mul3A_12 = arith.muli %scan3A_9, %mul3A_11 : i32
      %get3A = arith.constant 0 : i32
      %get3A_13 = arith.index_cast %get3A : i32 to index
      %get3A_14 = arith.index_cast %mul3A_12 : i32 to index
      %get3A_15 = tpu.vector_load %arg5[%get3A_13, %get3A_14] {strides = array<i32>} : memref<81x640xf32, #tpu.memory_space<vmem>>, vector<1x16xf32>,
      %get3A_16 = vector.shape_cast %get3A_15 : vector<1x16xf32> to vector<16xf32>
      %broadcast_in_dim3A = arith.constant 0 : i32
      %broadcast_in_dim3A_17 = vector.broadcast %broadcast_in_dim3A : i32 to vector<16xi32>
      %scan3A_18 = arith.constant 1 : i32
      %scan3A_19 = arith.constant 80 : i32
      %scan3A_20 = arith.addi %scan3A_18, %scan3A_19 : i32
      %scan3A_21 = arith.constant 1 : i32
      %scan3A_22:2 = scf.for %scan3A_37 = %scan3A_18 to %scan3A_20 step %scan3A_21 iter_args(%scan3A_38 = %get3A_16, %scan3A_39 = %broadcast_in_dim3A_17) -> (vector<16xf32>, vector<16xi32>)  : i32 {
        %get3A_40 = arith.index_cast %scan3A_37 : i32 to index
        %get3A_41 = arith.index_cast %mul3A_12 : i32 to index
        %get3A_42 = tpu.vector_load %arg5[%get3A_40, %get3A_41] {strides = array<i32>} : memref<81x640xf32, #tpu.memory_space<vmem>>, vector<1x16xf32>,
        %get3A_43 = vector.shape_cast %get3A_42 : vector<1x16xf32> to vector<16xf32>
        %gt3A_44 = arith.cmpf ogt, %get3A_43, %scan3A_38 : vector<16xf32>
        %select_n3A_45 = arith.select %gt3A_44, %get3A_43, %scan3A_38 : vector<16xi1>, vector<16xf32>
        %broadcast_in_dim3A_46 = vector.broadcast %scan3A_37 : i32 to vector<16xi32>
        %select_n3A_47 = arith.select %gt3A_44, %broadcast_in_dim3A_46, %scan3A_39 : vector<16xi1>, vector<16xi32>
        scf.yield %select_n3A_45, %select_n3A_47 : vector<16xf32>, vector<16xi32>
      }
      %scan3A_23 = arith.constant 80 : i32
      %gt3A = arith.constant 5.000000e-02 : f32
      %gt3A_24 = vector.broadcast %gt3A : f32 to vector<16xf32>
      %gt3A_25 = arith.cmpf ogt, %scan3A_22#0, %gt3A_24 : vector<16xf32>
      %ne3A = arith.constant 0 : i32
      %ne3A_26 = vector.broadcast %ne3A : i32 to vector<16xi32>
      %ne3A_27 = arith.cmpi ne, %scan3A_22#1, %ne3A_26 : vector<16xi32>
      %and3A = arith.andi %gt3A_25, %ne3A_27 : vector<16xi1>
      %jit3A = arith.constant -1.000000e+30 : f32
      %broadcast_in_dim3A_28 = vector.broadcast %jit3A : f32 to vector<16xf32>
      %select_n3A = arith.select %and3A, %scan3A_22#0, %broadcast_in_dim3A_28 : vector<16xi1>, vector<16xf32>
      %swap3A = arith.index_cast %mul3A_12 : i32 to index
      %swap3A_29 = tpu.vector_load %arg6[%swap3A] {strides = array<i32>} : memref<640xf32, #tpu.memory_space<vmem>>, vector<16xf32>,
      %swap3A_30 = vector.shape_cast %swap3A_29 : vector<16xf32> to vector<16xf32>
      %swap3A_31 = vector.shape_cast %select_n3A : vector<16xf32> to vector<16xf32>
      tpu.vector_store %arg6[%swap3A], %swap3A_31 {strides = array<i32>} : memref<640xf32, #tpu.memory_space<vmem>>, vector<16xf32>,
      %convert_element_type3A = arith.sitofp %scan3A_22#1 : vector<16xi32> to vector<16xf32>
      %swap3A_32 = arith.index_cast %mul3A_12 : i32 to index
      %swap3A_33 = tpu.vector_load %arg7[%swap3A_32] {strides = array<i32>} : memref<640xf32, #tpu.memory_space<vmem>>, vector<16xf32>,
      %swap3A_34 = vector.shape_cast %swap3A_33 : vector<16xf32> to vector<16xf32>
      %swap3A_35 = vector.shape_cast %convert_element_type3A : vector<16xf32> to vector<16xf32>
      tpu.vector_store %arg7[%swap3A_32], %swap3A_35 {strides = array<i32>} : memref<640xf32, #tpu.memory_space<vmem>>, vector<16xf32>,
      %scan3A_36 = arith.constant 0 : i32
      scf.yield %scan3A_36 : i32
    }
    %scan3A_8 = arith.constant 40 : i32
    "tpu.region"() ({
      %run_scoped3A = tpu.sem_alloc : memref<!tpu.dma_semaphore, #tpu.memory_space<semaphore_mem>>
      %dma_start3A = tpu.memref_slice %arg3[%mul3A_2] : memref<20480xf32, #tpu.memory_space<hbm>> -> memref<640xf32, #tpu.memory_space<hbm>>
      %dma_start3A_9 = tpu.memref_slice %arg3[%mul3A_2] : memref<20480xf32, #tpu.memory_space<hbm>> -> memref<640xf32, #tpu.memory_space<hbm>>
      tpu.enqueue_dma source(%arg6 : memref<640xf32, #tpu.memory_space<vmem>>) target(%dma_start3A_9 : memref<640xf32, #tpu.memory_space<hbm>>) target_semaphore(%run_scoped3A : memref<!tpu.dma_semaphore, #tpu.memory_space<semaphore_mem>>)
      %dma_wait3A = tpu.memref_slice %arg3[%mul3A_2] : memref<20480xf32, #tpu.memory_space<hbm>> -> memref<640xf32, #tpu.memory_space<hbm>>
      %dma_wait3A_10 = tpu.memref_slice %arg3[%mul3A_2] : memref<20480xf32, #tpu.memory_space<hbm>> -> memref<640xf32, #tpu.memory_space<hbm>>
      tpu.wait_dma2 semaphore(%run_scoped3A : memref<!tpu.dma_semaphore, #tpu.memory_space<semaphore_mem>>) src(%arg6 : memref<640xf32, #tpu.memory_space<vmem>>) dst(%dma_wait3A_10 : memref<640xf32, #tpu.memory_space<hbm>>)
      tpu.yield
    }) : () -> ()
    "tpu.region"() ({
      %run_scoped3A = tpu.sem_alloc : memref<!tpu.dma_semaphore, #tpu.memory_space<semaphore_mem>>
      %dma_start3A = tpu.memref_slice %arg4[%mul3A_2] : memref<20480xf32, #tpu.memory_space<hbm>> -> memref<640xf32, #tpu.memory_space<hbm>>
      %dma_start3A_9 = tpu.memref_slice %arg4[%mul3A_2] : memref<20480xf32, #tpu.memory_space<hbm>> -> memref<640xf32, #tpu.memory_space<hbm>>
      tpu.enqueue_dma source(%arg7 : memref<640xf32, #tpu.memory_space<vmem>>) target(%dma_start3A_9 : memref<640xf32, #tpu.memory_space<hbm>>) target_semaphore(%run_scoped3A : memref<!tpu.dma_semaphore, #tpu.memory_space<semaphore_mem>>)
      %dma_wait3A = tpu.memref_slice %arg4[%mul3A_2] : memref<20480xf32, #tpu.memory_space<hbm>> -> memref<640xf32, #tpu.memory_space<hbm>>
      %dma_wait3A_10 = tpu.memref_slice %arg4[%mul3A_2] : memref<20480xf32, #tpu.memory_space<hbm>> -> memref<640xf32, #tpu.memory_space<hbm>>
      tpu.wait_dma2 semaphore(%run_scoped3A : memref<!tpu.dma_semaphore, #tpu.memory_space<semaphore_mem>>) src(%arg7 : memref<640xf32, #tpu.memory_space<vmem>>) dst(%dma_wait3A_10 : memref<640xf32, #tpu.memory_space<hbm>>)
      tpu.yield
    }) : () -> ()
    return
  }
}

module attributes {stable_mosaic.version = 14 : i64} {
  func.func @_nms_kernel(%arg0: memref<157x4x128xf32, #tpu.memory_space<vmem>>, %arg1: memref<157x128xf32, #tpu.memory_space<vmem>>, %arg2: memref<157x128xf32, #tpu.memory_space<vmem>>, %arg3: memref<200x128xf32, #tpu.memory_space<vmem>>, %arg4: memref<157x128xf32, #tpu.memory_space<vmem>>, %arg5: memref<157x128xf32, #tpu.memory_space<vmem>>, %arg6: memref<157x128xf32, #tpu.memory_space<vmem>>, %arg7: memref<157x128xf32, #tpu.memory_space<vmem>>, %arg8: memref<157x128xf32, #tpu.memory_space<vmem>>, %arg9: memref<157x128xf32, #tpu.memory_space<vmem>>) attributes {dimension_semantics = [], scalar_prefetch = 0 : i64, scratch_operands = 6 : i64, tpu.core_type = #tpu.core_type<tc>} {
    %get3A = arith.constant 0 : index
    %get3A_0 = arith.constant 0 : index
    %get3A_1 = vector.load %arg1[%get3A, %get3A_0] : memref<157x128xf32, #tpu.memory_space<vmem>>, vector<157x128xf32>
    %get3A_2 = arith.constant 0 : index
    %get3A_3 = arith.constant 0 : index
    %get3A_4 = vector.load %arg2[%get3A_2, %get3A_3] : memref<157x128xf32, #tpu.memory_space<vmem>>, vector<157x128xf32>
    %get3A_5 = arith.constant 0 : index
    %get3A_6 = arith.constant 0 : index
    %get3A_7 = arith.constant 0 : index
    %get3A_8 = vector.load %arg0[%get3A_5, %get3A_6, %get3A_7] : memref<157x4x128xf32, #tpu.memory_space<vmem>>, vector<157x1x128xf32>
    %get3A_9 = vector.shape_cast %get3A_8 : vector<157x1x128xf32> to vector<157x128xf32>
    %get3A_10 = arith.constant 0 : index
    %get3A_11 = arith.constant 1 : index
    %get3A_12 = arith.constant 0 : index
    %get3A_13 = vector.load %arg0[%get3A_10, %get3A_11, %get3A_12] : memref<157x4x128xf32, #tpu.memory_space<vmem>>, vector<157x1x128xf32>
    %get3A_14 = vector.shape_cast %get3A_13 : vector<157x1x128xf32> to vector<157x128xf32>
    %get3A_15 = arith.constant 0 : index
    %get3A_16 = arith.constant 2 : index
    %get3A_17 = arith.constant 0 : index
    %get3A_18 = vector.load %arg0[%get3A_15, %get3A_16, %get3A_17] : memref<157x4x128xf32, #tpu.memory_space<vmem>>, vector<157x1x128xf32>
    %get3A_19 = vector.shape_cast %get3A_18 : vector<157x1x128xf32> to vector<157x128xf32>
    %get3A_20 = arith.constant 0 : index
    %get3A_21 = arith.constant 3 : index
    %get3A_22 = arith.constant 0 : index
    %get3A_23 = vector.load %arg0[%get3A_20, %get3A_21, %get3A_22] : memref<157x4x128xf32, #tpu.memory_space<vmem>>, vector<157x1x128xf32>
    %get3A_24 = vector.shape_cast %get3A_23 : vector<157x1x128xf32> to vector<157x128xf32>
    %max3A = arith.maximumf %get3A_9, %get3A_14 : vector<157x128xf32>
    %max3A_25 = arith.maximumf %get3A_19, %get3A_24 : vector<157x128xf32>
    %max3A_26 = arith.maximumf %max3A, %max3A_25 : vector<157x128xf32>
    %reduce_max3A = vector.shape_cast %max3A_26 : vector<157x128xf32> to vector<1x157x128xf32>
    %reduce_max3A_27 = arith.constant dense<0xFF800000> : vector<1xf32>
    %reduce_max3A_28 = vector.multi_reduction <maximumf>, %reduce_max3A, %reduce_max3A_27 [1, 2] : vector<1x157x128xf32> to vector<1xf32>
    %reduce_max3A_29 = vector.shape_cast %reduce_max3A_28 : vector<1xf32> to vector<1x1x1xf32>
    %reduce_max3A_30 = vector.extract %reduce_max3A_29[0, 0, 0] : f32 from vector<1x1x1xf32>
    %add3A = arith.constant 1.000000e+00 : f32
    %add3A_31 = arith.addf %reduce_max3A_30, %add3A : f32
    %mul3A = vector.broadcast %add3A_31 : f32 to vector<157x128xf32>
    %mul3A_32 = arith.mulf %get3A_4, %mul3A : vector<157x128xf32>
    %add3A_33 = arith.addf %get3A_9, %mul3A_32 : vector<157x128xf32>
    %swap3A = arith.constant 0 : index
    %swap3A_34 = arith.constant 0 : index
    %swap3A_35 = vector.load %arg4[%swap3A, %swap3A_34] : memref<157x128xf32, #tpu.memory_space<vmem>>, vector<157x128xf32>
    tpu.vector_store %arg4[%swap3A, %swap3A_34], %add3A_33 {strides = array<i32>} : memref<157x128xf32, #tpu.memory_space<vmem>>, vector<157x128xf32>,
    %add3A_36 = arith.addf %get3A_14, %mul3A_32 : vector<157x128xf32>
    %swap3A_37 = arith.constant 0 : index
    %swap3A_38 = arith.constant 0 : index
    %swap3A_39 = vector.load %arg5[%swap3A_37, %swap3A_38] : memref<157x128xf32, #tpu.memory_space<vmem>>, vector<157x128xf32>
    tpu.vector_store %arg5[%swap3A_37, %swap3A_38], %add3A_36 {strides = array<i32>} : memref<157x128xf32, #tpu.memory_space<vmem>>, vector<157x128xf32>,
    %add3A_40 = arith.addf %get3A_19, %mul3A_32 : vector<157x128xf32>
    %swap3A_41 = arith.constant 0 : index
    %swap3A_42 = arith.constant 0 : index
    %swap3A_43 = vector.load %arg6[%swap3A_41, %swap3A_42] : memref<157x128xf32, #tpu.memory_space<vmem>>, vector<157x128xf32>
    tpu.vector_store %arg6[%swap3A_41, %swap3A_42], %add3A_40 {strides = array<i32>} : memref<157x128xf32, #tpu.memory_space<vmem>>, vector<157x128xf32>,
    %add3A_44 = arith.addf %get3A_24, %mul3A_32 : vector<157x128xf32>
    %swap3A_45 = arith.constant 0 : index
    %swap3A_46 = arith.constant 0 : index
    %swap3A_47 = vector.load %arg7[%swap3A_45, %swap3A_46] : memref<157x128xf32, #tpu.memory_space<vmem>>, vector<157x128xf32>
    tpu.vector_store %arg7[%swap3A_45, %swap3A_46], %add3A_44 {strides = array<i32>} : memref<157x128xf32, #tpu.memory_space<vmem>>, vector<157x128xf32>,
    %swap3A_48 = arith.constant 0 : index
    %swap3A_49 = arith.constant 0 : index
    %swap3A_50 = vector.load %arg8[%swap3A_48, %swap3A_49] : memref<157x128xf32, #tpu.memory_space<vmem>>, vector<157x128xf32>
    tpu.vector_store %arg8[%swap3A_48, %swap3A_49], %get3A_4 {strides = array<i32>} : memref<157x128xf32, #tpu.memory_space<vmem>>, vector<157x128xf32>,
    %get3A_51 = arith.constant 0 : index
    %get3A_52 = arith.constant 0 : index
    %get3A_53 = vector.load %arg6[%get3A_51, %get3A_52] : memref<157x128xf32, #tpu.memory_space<vmem>>, vector<157x128xf32>
    %get3A_54 = arith.constant 0 : index
    %get3A_55 = arith.constant 0 : index
    %get3A_56 = vector.load %arg4[%get3A_54, %get3A_55] : memref<157x128xf32, #tpu.memory_space<vmem>>, vector<157x128xf32>
    %sub3A = arith.subf %get3A_53, %get3A_56 : vector<157x128xf32>
    %get3A_57 = arith.constant 0 : index
    %get3A_58 = arith.constant 0 : index
    %get3A_59 = vector.load %arg7[%get3A_57, %get3A_58] : memref<157x128xf32, #tpu.memory_space<vmem>>, vector<157x128xf32>
    %get3A_60 = arith.constant 0 : index
    %get3A_61 = arith.constant 0 : index
    %get3A_62 = vector.load %arg5[%get3A_60, %get3A_61] : memref<157x128xf32, #tpu.memory_space<vmem>>, vector<157x128xf32>
    %sub3A_63 = arith.subf %get3A_59, %get3A_62 : vector<157x128xf32>
    %mul3A_64 = arith.mulf %sub3A, %sub3A_63 : vector<157x128xf32>
    %swap3A_65 = arith.constant 0 : index
    %swap3A_66 = arith.constant 0 : index
    %swap3A_67 = vector.load %arg9[%swap3A_65, %swap3A_66] : memref<157x128xf32, #tpu.memory_space<vmem>>, vector<157x128xf32>
    tpu.vector_store %arg9[%swap3A_65, %swap3A_66], %mul3A_64 {strides = array<i32>} : memref<157x128xf32, #tpu.memory_space<vmem>>, vector<157x128xf32>,
    %iota3A = tpu.iota {dimensions = array<i32: 0>} : vector<157x128xi32>
    %mul3A_68 = arith.constant 128 : i32
    %mul3A_69 = vector.broadcast %mul3A_68 : i32 to vector<157x128xi32>
    %mul3A_70 = arith.muli %iota3A, %mul3A_69 : vector<157x128xi32>
    %iota3A_71 = tpu.iota {dimensions = array<i32: 1>} : vector<157x128xi32>
    %add3A_72 = arith.addi %mul3A_70, %iota3A_71 : vector<157x128xi32>
    %iota3A_73 = tpu.iota {dimensions = array<i32: 1>} : vector<1x128xi32>
    %scan3A = arith.constant 0 : i32
    %scan3A_74 = arith.constant 200 : i32
    %scan3A_75 = arith.addi %scan3A, %scan3A_74 : i32
    %scan3A_76 = arith.constant 1 : i32
    %scan3A_77 = scf.for %scan3A_79 = %scan3A to %scan3A_75 step %scan3A_76 iter_args(%scan3A_80 = %get3A_1) -> (vector<157x128xf32>)  : i32 {
      %reduce_max3A_81 = vector.shape_cast %scan3A_80 : vector<157x128xf32> to vector<1x157x128xf32>
      %reduce_max3A_82 = arith.constant dense<0xFF800000> : vector<1xf32>
      %reduce_max3A_83 = vector.multi_reduction <maximumf>, %reduce_max3A_81, %reduce_max3A_82 [1, 2] : vector<1x157x128xf32> to vector<1xf32>
      %reduce_max3A_84 = vector.shape_cast %reduce_max3A_83 : vector<1xf32> to vector<1x1x1xf32>
      %reduce_max3A_85 = vector.extract %reduce_max3A_84[0, 0, 0] : f32 from vector<1x1x1xf32>
      %eq3A = vector.broadcast %reduce_max3A_85 : f32 to vector<157x128xf32>
      %eq3A_86 = arith.cmpf oeq, %scan3A_80, %eq3A : vector<157x128xf32>
      %jit3A = arith.constant 20096 : i32
      %broadcast_in_dim3A = vector.broadcast %jit3A : i32 to vector<157x128xi32>
      %select_n3A = arith.select %eq3A_86, %add3A_72, %broadcast_in_dim3A : vector<157x128xi1>, vector<157x128xi32>
      %reduce_min3A = vector.shape_cast %select_n3A : vector<157x128xi32> to vector<1x157x128xi32>
      %reduce_min3A_87 = arith.constant dense<2147483647> : vector<1xi32>
      %reduce_min3A_88 = vector.multi_reduction <minsi>, %reduce_min3A, %reduce_min3A_87 [1, 2] : vector<1x157x128xi32> to vector<1xi32>
      %reduce_min3A_89 = vector.shape_cast %reduce_min3A_88 : vector<1xi32> to vector<1x1x1xi32>
      %reduce_min3A_90 = vector.extract %reduce_min3A_89[0, 0, 0] : i32 from vector<1x1x1xi32>
      %jit3A_91 = arith.constant 128 : i32
      %div3A = arith.divsi %reduce_min3A_90, %jit3A_91 : i32
      %sign3A = arith.constant 0 : i32
      %sign3A_92 = arith.cmpi sgt, %reduce_min3A_90, %sign3A : i32
      %sign3A_93 = arith.extui %sign3A_92 : i1 to i32
      %sign3A_94 = arith.constant 0 : i32
      %sign3A_95 = arith.cmpi slt, %reduce_min3A_90, %sign3A_94 : i32
      %sign3A_96 = arith.extui %sign3A_95 : i1 to i32
      %sign3A_97 = arith.subi %sign3A_93, %sign3A_96 : i32
      %sign3A_98 = arith.constant 0 : i32
      %sign3A_99 = arith.cmpi sgt, %jit3A_91, %sign3A_98 : i32
      %sign3A_100 = arith.extui %sign3A_99 : i1 to i32
      %sign3A_101 = arith.constant 0 : i32
      %sign3A_102 = arith.cmpi slt, %jit3A_91, %sign3A_101 : i32
      %sign3A_103 = arith.extui %sign3A_102 : i1 to i32
      %sign3A_104 = arith.subi %sign3A_100, %sign3A_103 : i32
      %ne3A = arith.cmpi ne, %sign3A_97, %sign3A_104 : i32
      %rem3A = arith.remsi %reduce_min3A_90, %jit3A_91 : i32
      %ne3A_105 = arith.constant 0 : i32
      %ne3A_106 = arith.cmpi ne, %rem3A, %ne3A_105 : i32
      %and3A = arith.andi %ne3A, %ne3A_106 : i1
      %sub3A_107 = arith.constant 1 : i32
      %sub3A_108 = arith.subi %div3A, %sub3A_107 : i32
      %select_n3A_109 = arith.select %and3A, %sub3A_108, %div3A : i32
      %mul3A_110 = arith.constant 128 : i32
      %mul3A_111 = arith.muli %select_n3A_109, %mul3A_110 : i32
      %sub3A_112 = arith.subi %reduce_min3A_90, %mul3A_111 : i32
      %eq3A_113 = vector.broadcast %sub3A_112 : i32 to vector<1x128xi32>
      %eq3A_114 = arith.cmpi eq, %iota3A_73, %eq3A_113 : vector<1x128xi32>
      %get3A_115 = arith.index_cast %select_n3A_109 : i32 to index
      %get3A_116 = arith.constant 0 : index
      %get3A_117 = vector.load %arg4[%get3A_115, %get3A_116] : memref<157x128xf32, #tpu.memory_space<vmem>>, vector<1x128xf32>
      %jit3A_118 = arith.constant 0.000000e+00 : f32
      %broadcast_in_dim3A_119 = vector.broadcast %jit3A_118 : f32 to vector<1x128xf32>
      %select_n3A_120 = arith.select %eq3A_114, %get3A_117, %broadcast_in_dim3A_119 : vector<1x128xi1>, vector<1x128xf32>
      %reduce_sum3A = vector.shape_cast %select_n3A_120 : vector<1x128xf32> to vector<1x1x128xf32>
      %reduce_sum3A_121 = arith.constant dense<0.000000e+00> : vector<1xf32>
      %reduce_sum3A_122 = vector.multi_reduction <add>, %reduce_sum3A, %reduce_sum3A_121 [1, 2] : vector<1x1x128xf32> to vector<1xf32>
      %reduce_sum3A_123 = vector.shape_cast %reduce_sum3A_122 : vector<1xf32> to vector<1x1x1xf32>
      %reduce_sum3A_124 = vector.extract %reduce_sum3A_123[0, 0, 0] : f32 from vector<1x1x1xf32>
      %get3A_125 = arith.index_cast %select_n3A_109 : i32 to index
      %get3A_126 = arith.constant 0 : index
      %get3A_127 = vector.load %arg5[%get3A_125, %get3A_126] : memref<157x128xf32, #tpu.memory_space<vmem>>, vector<1x128xf32>
      %jit3A_128 = arith.constant 0.000000e+00 : f32
      %broadcast_in_dim3A_129 = vector.broadcast %jit3A_128 : f32 to vector<1x128xf32>
      %select_n3A_130 = arith.select %eq3A_114, %get3A_127, %broadcast_in_dim3A_129 : vector<1x128xi1>, vector<1x128xf32>
      %reduce_sum3A_131 = vector.shape_cast %select_n3A_130 : vector<1x128xf32> to vector<1x1x128xf32>
      %reduce_sum3A_132 = arith.constant dense<0.000000e+00> : vector<1xf32>
      %reduce_sum3A_133 = vector.multi_reduction <add>, %reduce_sum3A_131, %reduce_sum3A_132 [1, 2] : vector<1x1x128xf32> to vector<1xf32>
      %reduce_sum3A_134 = vector.shape_cast %reduce_sum3A_133 : vector<1xf32> to vector<1x1x1xf32>
      %reduce_sum3A_135 = vector.extract %reduce_sum3A_134[0, 0, 0] : f32 from vector<1x1x1xf32>
      %get3A_136 = arith.index_cast %select_n3A_109 : i32 to index
      %get3A_137 = arith.constant 0 : index
      %get3A_138 = vector.load %arg6[%get3A_136, %get3A_137] : memref<157x128xf32, #tpu.memory_space<vmem>>, vector<1x128xf32>
      %jit3A_139 = arith.constant 0.000000e+00 : f32
      %broadcast_in_dim3A_140 = vector.broadcast %jit3A_139 : f32 to vector<1x128xf32>
      %select_n3A_141 = arith.select %eq3A_114, %get3A_138, %broadcast_in_dim3A_140 : vector<1x128xi1>, vector<1x128xf32>
      %reduce_sum3A_142 = vector.shape_cast %select_n3A_141 : vector<1x128xf32> to vector<1x1x128xf32>
      %reduce_sum3A_143 = arith.constant dense<0.000000e+00> : vector<1xf32>
      %reduce_sum3A_144 = vector.multi_reduction <add>, %reduce_sum3A_142, %reduce_sum3A_143 [1, 2] : vector<1x1x128xf32> to vector<1xf32>
      %reduce_sum3A_145 = vector.shape_cast %reduce_sum3A_144 : vector<1xf32> to vector<1x1x1xf32>
      %reduce_sum3A_146 = vector.extract %reduce_sum3A_145[0, 0, 0] : f32 from vector<1x1x1xf32>
      %get3A_147 = arith.index_cast %select_n3A_109 : i32 to index
      %get3A_148 = arith.constant 0 : index
      %get3A_149 = vector.load %arg7[%get3A_147, %get3A_148] : memref<157x128xf32, #tpu.memory_space<vmem>>, vector<1x128xf32>
      %jit3A_150 = arith.constant 0.000000e+00 : f32
      %broadcast_in_dim3A_151 = vector.broadcast %jit3A_150 : f32 to vector<1x128xf32>
      %select_n3A_152 = arith.select %eq3A_114, %get3A_149, %broadcast_in_dim3A_151 : vector<1x128xi1>, vector<1x128xf32>
      %reduce_sum3A_153 = vector.shape_cast %select_n3A_152 : vector<1x128xf32> to vector<1x1x128xf32>
      %reduce_sum3A_154 = arith.constant dense<0.000000e+00> : vector<1xf32>
      %reduce_sum3A_155 = vector.multi_reduction <add>, %reduce_sum3A_153, %reduce_sum3A_154 [1, 2] : vector<1x1x128xf32> to vector<1xf32>
      %reduce_sum3A_156 = vector.shape_cast %reduce_sum3A_155 : vector<1xf32> to vector<1x1x1xf32>
      %reduce_sum3A_157 = vector.extract %reduce_sum3A_156[0, 0, 0] : f32 from vector<1x1x1xf32>
      %get3A_158 = arith.index_cast %select_n3A_109 : i32 to index
      %get3A_159 = arith.constant 0 : index
      %get3A_160 = vector.load %arg8[%get3A_158, %get3A_159] : memref<157x128xf32, #tpu.memory_space<vmem>>, vector<1x128xf32>
      %jit3A_161 = arith.constant 0.000000e+00 : f32
      %broadcast_in_dim3A_162 = vector.broadcast %jit3A_161 : f32 to vector<1x128xf32>
      %select_n3A_163 = arith.select %eq3A_114, %get3A_160, %broadcast_in_dim3A_162 : vector<1x128xi1>, vector<1x128xf32>
      %reduce_sum3A_164 = vector.shape_cast %select_n3A_163 : vector<1x128xf32> to vector<1x1x128xf32>
      %reduce_sum3A_165 = arith.constant dense<0.000000e+00> : vector<1xf32>
      %reduce_sum3A_166 = vector.multi_reduction <add>, %reduce_sum3A_164, %reduce_sum3A_165 [1, 2] : vector<1x1x128xf32> to vector<1xf32>
      %reduce_sum3A_167 = vector.shape_cast %reduce_sum3A_166 : vector<1xf32> to vector<1x1x1xf32>
      %reduce_sum3A_168 = vector.extract %reduce_sum3A_167[0, 0, 0] : f32 from vector<1x1x1xf32>
      %get3A_169 = arith.constant 0 : index
      %get3A_170 = arith.constant 0 : index
      %get3A_171 = vector.load %arg4[%get3A_169, %get3A_170] : memref<157x128xf32, #tpu.memory_space<vmem>>, vector<157x128xf32>
      %max3A_172 = vector.broadcast %reduce_sum3A_124 : f32 to vector<157x128xf32>
      %max3A_173 = arith.maximumf %max3A_172, %get3A_171 : vector<157x128xf32>
      %get3A_174 = arith.constant 0 : index
      %get3A_175 = arith.constant 0 : index
      %get3A_176 = vector.load %arg5[%get3A_174, %get3A_175] : memref<157x128xf32, #tpu.memory_space<vmem>>, vector<157x128xf32>
      %max3A_177 = vector.broadcast %reduce_sum3A_135 : f32 to vector<157x128xf32>
      %max3A_178 = arith.maximumf %max3A_177, %get3A_176 : vector<157x128xf32>
      %get3A_179 = arith.constant 0 : index
      %get3A_180 = arith.constant 0 : index
      %get3A_181 = vector.load %arg6[%get3A_179, %get3A_180] : memref<157x128xf32, #tpu.memory_space<vmem>>, vector<157x128xf32>
      %min3A = vector.broadcast %reduce_sum3A_146 : f32 to vector<157x128xf32>
      %min3A_182 = arith.minimumf %min3A, %get3A_181 : vector<157x128xf32>
      %get3A_183 = arith.constant 0 : index
      %get3A_184 = arith.constant 0 : index
      %get3A_185 = vector.load %arg7[%get3A_183, %get3A_184] : memref<157x128xf32, #tpu.memory_space<vmem>>, vector<157x128xf32>
      %min3A_186 = vector.broadcast %reduce_sum3A_157 : f32 to vector<157x128xf32>
      %min3A_187 = arith.minimumf %min3A_186, %get3A_185 : vector<157x128xf32>
      %sub3A_188 = arith.subf %min3A_182, %max3A_173 : vector<157x128xf32>
      %max3A_189 = arith.constant 0.000000e+00 : f32
      %max3A_190 = vector.broadcast %max3A_189 : f32 to vector<157x128xf32>
      %max3A_191 = arith.maximumf %sub3A_188, %max3A_190 : vector<157x128xf32>
      %sub3A_192 = arith.subf %min3A_187, %max3A_178 : vector<157x128xf32>
      %max3A_193 = arith.constant 0.000000e+00 : f32
      %max3A_194 = vector.broadcast %max3A_193 : f32 to vector<157x128xf32>
      %max3A_195 = arith.maximumf %sub3A_192, %max3A_194 : vector<157x128xf32>
      %mul3A_196 = arith.mulf %max3A_191, %max3A_195 : vector<157x128xf32>
      %sub3A_197 = arith.subf %reduce_sum3A_146, %reduce_sum3A_124 : f32
      %sub3A_198 = arith.subf %reduce_sum3A_157, %reduce_sum3A_135 : f32
      %mul3A_199 = arith.mulf %sub3A_197, %sub3A_198 : f32
      %get3A_200 = arith.constant 0 : index
      %get3A_201 = arith.constant 0 : index
      %get3A_202 = vector.load %arg9[%get3A_200, %get3A_201] : memref<157x128xf32, #tpu.memory_space<vmem>>, vector<157x128xf32>
      %add3A_203 = vector.broadcast %mul3A_199 : f32 to vector<157x128xf32>
      %add3A_204 = arith.addf %add3A_203, %get3A_202 : vector<157x128xf32>
      %sub3A_205 = arith.subf %add3A_204, %mul3A_196 : vector<157x128xf32>
      %add3A_206 = arith.constant 9.99999971E-10 : f32
      %add3A_207 = vector.broadcast %add3A_206 : f32 to vector<157x128xf32>
      %add3A_208 = arith.addf %sub3A_205, %add3A_207 : vector<157x128xf32>
      %div3A_209 = arith.divf %mul3A_196, %add3A_208 : vector<157x128xf32>
      %gt3A = arith.constant 5.000000e-01 : f32
      %gt3A_210 = vector.broadcast %gt3A : f32 to vector<157x128xf32>
      %gt3A_211 = arith.cmpf ogt, %div3A_209, %gt3A_210 : vector<157x128xf32>
      %jit3A_212 = arith.constant -1.000000e+30 : f32
      %broadcast_in_dim3A_213 = vector.broadcast %jit3A_212 : f32 to vector<157x128xf32>
      %select_n3A_214 = arith.select %gt3A_211, %broadcast_in_dim3A_213, %scan3A_80 : vector<157x128xi1>, vector<157x128xf32>
      %gt3A_215 = arith.constant -5.000000e+29 : f32
      %gt3A_216 = arith.cmpf ogt, %reduce_max3A_85, %gt3A_215 : f32
      %convert_element_type3A = arith.extui %gt3A_216 : i1 to i32
      %convert_element_type3A_217 = arith.sitofp %convert_element_type3A : i32 to f32
      %add3A_218 = arith.constant 1.000000e+00 : f32
      %add3A_219 = arith.addf %reduce_max3A_30, %add3A_218 : f32
      %mul3A_220 = arith.mulf %reduce_sum3A_168, %add3A_219 : f32
      %sub3A_221 = arith.subf %reduce_sum3A_124, %mul3A_220 : f32
      %sub3A_222 = arith.subf %reduce_sum3A_135, %mul3A_220 : f32
      %sub3A_223 = arith.subf %reduce_sum3A_146, %mul3A_220 : f32
      %sub3A_224 = arith.subf %reduce_sum3A_157, %mul3A_220 : f32
      %broadcast_in_dim3A_225 = arith.constant 0.000000e+00 : f32
      %broadcast_in_dim3A_226 = vector.broadcast %broadcast_in_dim3A_225 : f32 to vector<1x128xf32>
      %eq3A_227 = arith.constant 0 : i32
      %eq3A_228 = vector.broadcast %eq3A_227 : i32 to vector<1x128xi32>
      %eq3A_229 = arith.cmpi eq, %iota3A_73, %eq3A_228 : vector<1x128xi32>
      %mul3A_230 = arith.mulf %sub3A_221, %convert_element_type3A_217 : f32
      %jit3A_231 = arith.constant 0.000000e+00 : f32
      %broadcast_in_dim3A_232 = vector.broadcast %mul3A_230 : f32 to vector<1x128xf32>
      %broadcast_in_dim3A_233 = vector.broadcast %jit3A_231 : f32 to vector<1x128xf32>
      %select_n3A_234 = arith.select %eq3A_229, %broadcast_in_dim3A_232, %broadcast_in_dim3A_233 : vector<1x128xi1>, vector<1x128xf32>
      %add3A_235 = arith.addf %broadcast_in_dim3A_226, %select_n3A_234 : vector<1x128xf32>
      %eq3A_236 = arith.constant 1 : i32
      %eq3A_237 = vector.broadcast %eq3A_236 : i32 to vector<1x128xi32>
      %eq3A_238 = arith.cmpi eq, %iota3A_73, %eq3A_237 : vector<1x128xi32>
      %mul3A_239 = arith.mulf %sub3A_222, %convert_element_type3A_217 : f32
      %jit3A_240 = arith.constant 0.000000e+00 : f32
      %broadcast_in_dim3A_241 = vector.broadcast %mul3A_239 : f32 to vector<1x128xf32>
      %broadcast_in_dim3A_242 = vector.broadcast %jit3A_240 : f32 to vector<1x128xf32>
      %select_n3A_243 = arith.select %eq3A_238, %broadcast_in_dim3A_241, %broadcast_in_dim3A_242 : vector<1x128xi1>, vector<1x128xf32>
      %add3A_244 = arith.addf %add3A_235, %select_n3A_243 : vector<1x128xf32>
      %eq3A_245 = arith.constant 2 : i32
      %eq3A_246 = vector.broadcast %eq3A_245 : i32 to vector<1x128xi32>
      %eq3A_247 = arith.cmpi eq, %iota3A_73, %eq3A_246 : vector<1x128xi32>
      %mul3A_248 = arith.mulf %sub3A_223, %convert_element_type3A_217 : f32
      %jit3A_249 = arith.constant 0.000000e+00 : f32
      %broadcast_in_dim3A_250 = vector.broadcast %mul3A_248 : f32 to vector<1x128xf32>
      %broadcast_in_dim3A_251 = vector.broadcast %jit3A_249 : f32 to vector<1x128xf32>
      %select_n3A_252 = arith.select %eq3A_247, %broadcast_in_dim3A_250, %broadcast_in_dim3A_251 : vector<1x128xi1>, vector<1x128xf32>
      %add3A_253 = arith.addf %add3A_244, %select_n3A_252 : vector<1x128xf32>
      %eq3A_254 = arith.constant 3 : i32
      %eq3A_255 = vector.broadcast %eq3A_254 : i32 to vector<1x128xi32>
      %eq3A_256 = arith.cmpi eq, %iota3A_73, %eq3A_255 : vector<1x128xi32>
      %mul3A_257 = arith.mulf %sub3A_224, %convert_element_type3A_217 : f32
      %jit3A_258 = arith.constant 0.000000e+00 : f32
      %broadcast_in_dim3A_259 = vector.broadcast %mul3A_257 : f32 to vector<1x128xf32>
      %broadcast_in_dim3A_260 = vector.broadcast %jit3A_258 : f32 to vector<1x128xf32>
      %select_n3A_261 = arith.select %eq3A_256, %broadcast_in_dim3A_259, %broadcast_in_dim3A_260 : vector<1x128xi1>, vector<1x128xf32>
      %add3A_262 = arith.addf %add3A_253, %select_n3A_261 : vector<1x128xf32>
      %eq3A_263 = arith.constant 4 : i32
      %eq3A_264 = vector.broadcast %eq3A_263 : i32 to vector<1x128xi32>
      %eq3A_265 = arith.cmpi eq, %iota3A_73, %eq3A_264 : vector<1x128xi32>
      %mul3A_266 = arith.mulf %reduce_max3A_85, %convert_element_type3A_217 : f32
      %jit3A_267 = arith.constant 0.000000e+00 : f32
      %broadcast_in_dim3A_268 = vector.broadcast %mul3A_266 : f32 to vector<1x128xf32>
      %broadcast_in_dim3A_269 = vector.broadcast %jit3A_267 : f32 to vector<1x128xf32>
      %select_n3A_270 = arith.select %eq3A_265, %broadcast_in_dim3A_268, %broadcast_in_dim3A_269 : vector<1x128xi1>, vector<1x128xf32>
      %add3A_271 = arith.addf %add3A_262, %select_n3A_270 : vector<1x128xf32>
      %eq3A_272 = arith.constant 5 : i32
      %eq3A_273 = vector.broadcast %eq3A_272 : i32 to vector<1x128xi32>
      %eq3A_274 = arith.cmpi eq, %iota3A_73, %eq3A_273 : vector<1x128xi32>
      %mul3A_275 = arith.mulf %reduce_sum3A_168, %convert_element_type3A_217 : f32
      %jit3A_276 = arith.constant 0.000000e+00 : f32
      %broadcast_in_dim3A_277 = vector.broadcast %mul3A_275 : f32 to vector<1x128xf32>
      %broadcast_in_dim3A_278 = vector.broadcast %jit3A_276 : f32 to vector<1x128xf32>
      %select_n3A_279 = arith.select %eq3A_274, %broadcast_in_dim3A_277, %broadcast_in_dim3A_278 : vector<1x128xi1>, vector<1x128xf32>
      %add3A_280 = arith.addf %add3A_271, %select_n3A_279 : vector<1x128xf32>
      %swap3A_281 = arith.index_cast %scan3A_79 : i32 to index
      %swap3A_282 = arith.constant 0 : index
      %swap3A_283 = vector.load %arg3[%swap3A_281, %swap3A_282] : memref<200x128xf32, #tpu.memory_space<vmem>>, vector<1x128xf32>
      tpu.vector_store %arg3[%swap3A_281, %swap3A_282], %add3A_280 {strides = array<i32>} : memref<200x128xf32, #tpu.memory_space<vmem>>, vector<1x128xf32>,
      scf.yield %select_n3A_214 : vector<157x128xf32>
    }
    %scan3A_78 = arith.constant 200 : i32
    return
  }
}

</mosaic_0001>

<sc_bundles>
// kernel: kernel.4.cloned.1.call-start
scs
__scs_entry_jumppad:
0x0: {  	(pc) =	sbr.rel $0x88, $3  }
0x1: {  	(tag) =	ssettag $0x0;
	lr =	simm.s32 $0x1  }
0x2: {  	[smem:$0x3F9E] =	sst lr;
	_ =	strace $0xD0000000  }
0x3: {  	_ = 	snop  }
0x4: {  	_ = 	snop  }
0x5: {  	_ = 	snop  }
0x6: {  	_ = 	snop  }
0x7: {  	_ = 	snop  }
__scs_overlays_trampoline_lowered:
0x8: {  	[smem:$0x3FAD] =	sst s0  }
0x9: {  	[smem:$0x3FAE] =	sst s1  }
0xa: {  	[smem:$0x3FAF] =	sst s2  }
0xb: {  	[smem:$0x3FB0] =	sst s3  }
0xc: {  	[smem:$0x3FB1] =	sst s4  }
0xd: {  	[smem:$0x3FB2] =	sst s5  }
0xe: {  	[smem:$0x3FB3] =	sst s6  }
0xf: {  	[smem:$0x3FB4] =	sst s7  }
0x10: {  	[smem:$0x3FB5] =	sst s8  }
0x11: {  	[smem:$0x3FB6] =	sst s9;
	s0 =	simm.s32 @!p0 $0x0  }
0x12: {  	s1 =	sld [smem:$0x3F9C];
	s0 =	simm.s32 @p0 $0x1  }
0x13: {  	[smem:$0x3FB7] =	sst s0;
	s0 =	simm.s32 @!p1 $0x0  }
0x14: {  	s2 =	sld [smem:$0x3F9B];
	s0 =	simm.s32 @p1 $0x1  }
0x15: {  	[smem:$0x3FB8] =	sst s0;
	s0 =	simm.s32 @!p2 $0x0  }
0x16: {  	s3 =	sld [smem:$0x3FDB];
	s0 =	simm.s32 @p2 $0x1  }
0x17: {  	s4 =	simm.s32 $0x1BF5;
	[smem:$0x3FBA] =	sst s0  }
0x18: {  	s0 =	sld [smem:$0x3F9D];
	_ =	swait.ge [sflag:s4], $0x0  }
0x19: {  	s7 =	sld [smem:$0x3F9E]  }
0x1a: {  	s8 =	sadd.s32 $0xFFFFE003, lr  }
0x1b: {  	s9 =	sadd.s32 $0xFFFFFEF7, lr;
	s5 =	simm.s32 $0xFFFFFFFF;
	p2 =	slt.u32 s8, $0xFFFFF086  }
0x1c: {  	p1 =	slt.u32 s9, $0xF7A;
	s5 =	simm.s32 @!p2 $0x0  }
0x1d: {  	s5 =	simm.s32 @p1 $0x1;
	p0 =	seq.s32 s7, s2  }
0x1e: {  	s7 =	smul.u32 @!p0 $0xF7A, s2;
	p2 =	seq.s32 @!p0 s5, $0x0  }
0x1f: {  	s9 =	smul.u32 $0xF7A, s1;
	s8 =	simm.s32 @!p0 $0x1BF5;
	p2 =	por !p2, p0  }
0x20: {  	[sflag:s8] =	ssyncset.s32 @!p0 $0xFFFFF086;
	s6 =	sadd.s32 @!p0 s3, s7;
	s7 =	simm.s32 @!p0 $0x108  }
0x21: {  	s3 =	sadd.s32 s3, s9;
	s6 =	sadd.s32 @!p0 $0x88, s6;
	s7 =	simm.s32 @p2 $0x1082  }
0x22: {  	[simem:s7], [sflag:s8] =	dma.local @!p0 [hbm:s6], $0xF7A  }
0x23: {  	s9 =	sor.u32 $0xD0000000, s2;
	s6 =	simm.s32 $0x108;
	_ =	swait.ge @!p0 [sflag:s8], $0x0  }
0x24: {  	s3 =	sadd.s32 $0x88, s3;
	s6 =	simm.s32 @!p1 $0x1082;
	[sflag:s4] =	ssyncset.s32 $0xFFFFF086  }
0x25: {  	[simem:s6], [sflag:s4] =	dma.local [hbm:s3], $0xF7A  }
0x26: {  	[smem:$0x3F9E] =	sst s1;
	(tag) =	ssettag s2;
	_ =	strace s9  }
0x27: {  	s1 =	sld [smem:$0x3FAE]  }
0x28: {  	s2 =	sld [smem:$0x3FAF]  }
0x29: {  	s4 =	sld [smem:$0x3FB1]  }
0x2a: {  	p0 =	seq.s32 s5, $0x0;
	s5 =	sld [smem:$0x3FB2]  }
0x2b: {  	s6 =	sld [smem:$0x3FB3]  }
0x2c: {  	s7 =	sld [smem:$0x3FB4]  }
0x2d: {  	s3 =	simm.s32 $0x108;
	s8 =	sld [smem:$0x3FB5]  }
0x2e: {  	s3 =	simm.s32 @!p0 $0x1082;
	s9 =	sld [smem:$0x3FB6]  }
0x2f: {  	lr =	sadd.s32 s0, s3;
	s0 =	sld [smem:$0x3FAD]  }
0x30: {  	s3 =	sld [smem:$0x3FB0]  }
0x31: {  	[smem:$0x3FB9] =	sst s10  }
0x32: {  	s10 =	sld [smem:$0x3FB7];
	_ =	sdelay $0x3  }
0x33: {  	p0 =	seq.s32 s10, $0x1;
	s10 =	sld [smem:$0x3FB9];
	_ =	sdelay $0x3  }
0x34: {  	[smem:$0x3FB9] =	sst s10  }
0x35: {  	s10 =	sld [smem:$0x3FB8];
	_ =	sdelay $0x3  }
0x36: {  	p1 =	seq.s32 s10, $0x1;
	s10 =	sld [smem:$0x3FB9];
	_ =	sdelay $0x3  }
0x37: {  	[smem:$0x3FB9] =	sst s10  }
0x38: {  	s10 =	sld [smem:$0x3FBA]  }
0x39: {  	_ = 	snop;
	(pc) =	sbr.ind lr, $3  }
0x3a: {  	_ = 	snop  }
0x3b: {  	_ = 	snop  }
0x3c: {  	p2 =	seq.s32 s10, $0x1;
	s10 =	sld [smem:$0x3FB9]  }
0x3d: {  	_ =	shalt  }
0x3e: {  	_ =	shalt  }
0x3f: {  	_ =	shalt  }
0x40: {  	_ =	shalt  }
0x41: {  	_ =	shalt  }
0x42: {  	_ =	shalt  }
0x43: {  	_ =	shalt  }
0x44: {  	_ =	shalt  }
0x45: {  	_ =	shalt  }
0x46: {  	_ =	shalt  }
0x47: {  	_ =	shalt  }
0x48: {  	_ =	shalt  }
0x49: {  	_ =	shalt  }
0x4a: {  	_ =	shalt  }
0x4b: {  	_ =	shalt  }
0x4c: {  	_ =	shalt  }
0x4d: {  	_ =	shalt  }
0x4e: {  	_ =	shalt  }
0x4f: {  	_ =	shalt  }
0x50: {  	_ =	shalt  }
0x51: {  	_ =	shalt  }
0x52: {  	_ =	shalt  }
0x53: {  	_ =	shalt  }
0x54: {  	_ =	shalt  }
0x55: {  	_ =	shalt  }
0x56: {  	_ =	shalt  }
0x57: {  	_ =	shalt  }
0x58: {  	_ =	shalt  }
0x59: {  	_ =	shalt  }
0x5a: {  	_ =	shalt  }
0x5b: {  	_ =	shalt  }
0x5c: {  	_ =	shalt  }
0x5d: {  	_ =	shalt  }
0x5e: {  	_ =	shalt  }
0x5f: {  	_ =	shalt  }
0x60: {  	_ =	shalt  }
0x61: {  	_ =	shalt  }
0x62: {  	_ =	shalt  }
0x63: {  	_ =	shalt  }
0x64: {  	_ =	shalt  }
0x65: {  	_ =	shalt  }
0x66: {  	_ =	shalt  }
0x67: {  	_ =	shalt  }
0x68: {  	_ =	shalt  }
0x69: {  	_ =	shalt  }
0x6a: {  	_ =	shalt  }
0x6b: {  	_ =	shalt  }
0x6c: {  	_ =	shalt  }
0x6d: {  	_ =	shalt  }
0x6e: {  	_ =	shalt  }
0x6f: {  	_ =	shalt  }
0x70: {  	_ =	shalt  }
0x71: {  	_ =	shalt  }
0x72: {  	_ =	shalt  }
0x73: {  	_ =	shalt  }
0x74: {  	_ =	shalt  }
0x75: {  	_ =	shalt  }
0x76: {  	_ =	shalt  }
0x77: {  	_ =	shalt  }
0x78: {  	_ =	shalt  }
0x79: {  	_ =	shalt  }
0x7a: {  	_ =	shalt  }
0x7b: {  	_ =	shalt  }
0x7c: {  	_ =	shalt  }
0x7d: {  	_ =	shalt  }
0x7e: {  	_ =	shalt  }
0x7f: {  	_ =	shalt  }
0x80: {  	_ =	shalt  }
0x81: {  	_ =	shalt  }
0x82: {  	_ =	shalt  }
0x83: {  	_ =	shalt  }
0x84: {  	_ =	shalt  }
0x85: {  	_ =	shalt  }
0x86: {  	_ =	shalt  }
0x87: {  	_ =	shalt  }
.Lfunc_end0:
.L_simem_size_0:
called_computation_lowered:
.L_overlay_start_0:
0x88: {  	s2 =	sld [smem:$0x3FD9]  }
0x89: {  	s3 =	sld [smem:$0x3FFE];
	_ =	sdelay $0x1  }
0x8a: {  	s1 =	srdreg.scid  }
0x8b: {  	s0 =	sand.u32 $0x1, s1  }
0x8c: {  	s16 =	sshll.u32 s0, $0xA;
	s2 =	sadd.s32 s3, s2  }
0x8d: {  	s2 =	sadd.s32 s2, s16  }
0x8e: {  	[smem:$0x3FC5] =	sst s2  }
0x8f: {  	_ = 	snop  }
0x90: {  	(tm) =	ssettm $0x1  }
0x91: {  	s17 =	sld [smem:$0x3FFB];
	_ =	sdelay $0x3  }
0x92: {  	_ =	strace s17  }
0x93: {  	s2 =	sld [smem:$0x3FFC];
	_ =	sdelay $0x3  }
0x94: {  	_ =	strace s2  }
0x95: {  	s2 =	sld [smem:$0x3FFD];
	_ =	sdelay $0x3  }
0x96: {  	_ =	strace s2  }
0x97: {  	_ =	strace $0x8FFFFFFF  }
0x98: {  	s18 =	sld [smem:$0x3FDB];
	_ =	sdelay $0x1  }
0x99: {  	s19 =	simm.s32 $_scs_section_size  }
0x9a: {  	s4 =	simm.s32 $_size__tile_overlayer_lowered;
	s5 =	simm.s32 $_tile_overlayer_lowered  }
0x9b: {  	s22 =	simm.s32 $0x1BFF;
	s21 =	sshll.u32 s5, $0x1;
	s2 =	sadd.s32 s19, s18  }
0x9c: {  	s6 =	simm.s32 $0x0;
	s20 =	sshll.u32 s4, $0x1;
	s4 =	sadd.s32 s21, s2  }
0x9d: {  	[timem:s6], [sflag:s22] =	dma.local [hbm:s4], s20  }
0x9e: {  	_ =	swait.ge [sflag:s22], s20  }
0x9f: {  	s3 =	ssub.s32 $0x0, s20;
	[sflag:s22] =	ssyncset.done $0x0  }
0xa0: {  	[sflag:s22] =	ssyncadd.s32 s3;
	_ =	sdelay $0x1  }
0xa1: {  	s23 =	simm.s32 $0x1B8B  }
0xa2: {  	_ =	swait.ge [sflag:s23], $0x1  }
0xa3: {  	[sflag:s23] =	ssyncset.done $0x0  }
0xa4: {  	s25 =	simm.s32 $0x1B8E;
	s24 =	sld [smem:$0x3FFE];
	[sflag:s23] =	ssyncadd.s32 $0xFFFFFFFF  }
0xa5: {  	s26 =	simm.s32 $execute0_lowered;
	[smem:$0x3FD2] =	sst s25  }
0xa6: {  	s4 =	sshll.u32 s26, $0x1;
	_ =	strace $0x80000046;
	[dreg:$0x1] =	wrdreg $0xFFFFFFFF  }
0xa7: {  	s28 =	simm.s32 $_size_execute0_lowered;
	s2 =	sadd.s32 s2, s4;
	[dreg:$0x0] =	wrdreg $0x0  }
0xa8: {  	s4 =	sshll.u32 s28, $0x1;
	[dreg:$0x2] =	wrdreg s2  }
0xa9: {  	[dreg:$0x3] =	wrdreg s4  }
0xaa: {  	[dreg:$0x4] =	wrdreg $0xC0  }
0xab: {  	_ =	task [dreg:s6], $0x5FFFF  }
0xac: {  	[dreg:$0x1] =	wrdreg $0xFFFFFFFF  }
0xad: {  	[dreg:$0x0] =	wrdreg $0x60  }
0xae: {  	[dreg:$0x2] =	wrdreg s24  }
0xaf: {  	[dreg:$0x3] =	wrdreg $0x9  }
0xb0: {  	_ =	task.clear_ibuf [dreg:s6], $0x4FFFF;
	_ =	strace $0x90000046  }
0xb1: {  	s29 =	simm.s32 $0x9;
	_ =	strace $0x80000048  }
0xb2: {  	_ =	swait.ge [sflag:s29], $0x1  }
0xb3: {  	[sflag:s29] =	ssyncadd.s32 $0xFFFFFFFF  }
0xb4: {  	_ =	strace $0x90000048  }
0xb5: {  	_ =	sfence  }
0xb6: {  	s30 =	sld [smem:$0x0];
	_ =	sdelay $0x2  }
0xb7: {  	s31 =	sshll.u32 s1, $0xD;
	s1 =	sshrl.u32 s1, $0x2  }
0xb8: {  	s3 =	sand.u32 $0x4000, s31;
	s1 =	sadd.s32 s1, s30  }
0xb9: {  	s0 =	sor.u32 s3, s0;
	s1 =	sshll.u32 s1, $0x11  }
0xba: {  	s0 =	sor.u32 s1, s0  }
0xbb: {  	s0 =	sadd.s32 $0x8F2B, s0  }
0xbc: {  	[sflag:s0] =	ssyncadd.remote.s32 $0x1  }
0xbd: {  	_ =	sfence.sel $0xFFFF  }
0xbe: {  	[dreg:$0x0] =	wrdreg $0xFFFFFFFF;
	(pc) =	sbr.abs _section_cstart, $3  }
0xbf: {  	[dreg:$0x1] =	wrdreg $0xFFFFFFFF  }
0xc0: {  	_ =	task.clear_ibuf [dreg:s6], $0x2FFFF;
	_ =	strace $0x9FFFFFFF  }
0xc1: {  	(tm) =	ssettm $0x7FFFFFFF  }
tec
execute0_lowered:
.L_overlay_start_1:
0x0: {  	(tag) =	ssettag $0x1  }
0x1: {  	s1 =	srdreg.scid  }
0x2: {  	s0 =	stileid.u32;
	s4 =	rddreg [dreg:$0x0]  }
0x3: {  	s2 =	simm.s32 $0x0;
	s3 =	sand.u32 $0x1, s1;
	s31 =	sshll.u32 s0, $0x1  }
0x4: {  	s8 =	simm.s32 $0x28000;
	s9 =	simm.s32 $0x1;
	s5 =	sor.u32 s3, s31  }
0x5: {  	s10 =	simm.s32 $0xDC00;
	s11 =	simm.s32 $0xDE80;
	s6 =	smul.u32 $0x280, s5  }
0x6: {  	s12 =	simm.s32 $0x0;
	[smem:$0x7FF] =	sst s2;
	s5 =	smul.u32 $0x50, s5  }
0x7: {  	s1 =	rddreg [dreg:$0x1];
	s3 =	ssub.s32 $0x2, s3;
	_ =	strace $0x80000047  }
0x8: {  	s7 =	sshrl.u32 s3, $0x1;
	s6 =	sadd.s32 s6, s4;
	s5 =	sadd.s32 s5, s4  }
0x9: {  	s7 =	ssub.s32 s3, s7;
	s3 =	sadd.s32 $0x200, s6;
	s4 =	sadd.s32 $0x37200, s5  }
0xa: {  	s5 =	sadd.s32 $0x37C00, s5;
	s6 =	smax.u32 s7, $0x1;
	s7 =	simm.s32 $0x1400  }
.LBB2_1:
0xb: {  	[tilespmem:s2], [sflag:$0x1] =	stream.strided.gather [hbm4b:s3+s7], $0xDC00, s8, s7, $0x38;
	[tilespmem:$0xE100] =	vst v63  }
0xc: {  	_ =	swait.ge [sflag:s9], $0xDC00  }
0xd: {  	[sflag:s9] =	ssyncset.done $0x0  }
0xe: {  	s13 =	simm.s32 $0x0;
	[sflag:s9] =	ssyncadd.s32 $0xFFFF2400  }
.LBB2_2:
0xf: {  	s14 =	sshll.u32 s13, $0x4  }
0x10: {  	s16 =	simm.s32 $0x0;
	s17 =	sand.u32 $0x70, s14  }
0x11: {  	s16 =	smul.u32 $0x5000, s16;
	v0 =	vmov s17  }
0x12: {  	s15 =	sshll.u32 s13, $0x7;
	s30 =	simm.s32 $0x0  }
0x13: {  	s19 =	simm.s32 $0x80;
	s15 =	sand.u32 $0x1C00, s15;
	s20 =	sshra.s32 s16, $0x2  }
0x14: {  	s19 =	sand.u32 $0x380, s19;
	s18 =	sor.u32 s17, s15;
	s20 =	sadd.s32 s20, s15  }
0x15: {  	s17 =	smul.u32 $0x5000, s30;
	v1 =	vld [tilespmem:s18+$0x0];
	s19 =	sadd.s32 s19, s20  }
0x16: {  	s21 =	simm.s32 $0x100;
	v3 =	vld.idx.msk [tilespmem:v0+s19+$0x0 ss:$0x1], $0xffff  }
0x17: {  	s21 =	sand.u32 $0x380, s21;
	s31 =	sshra.s32 s17, $0x2  }
0x18: {  	s16 =	simm.s32 $0x1;
	s18 =	simm.s32 $0x180;
	s20 =	sadd.s32 s31, s15  }
0x19: {  	v2 =	vimm.s32 $0x0;
	s17 =	simm.s32 $0x2;
	s20 =	sadd.s32 s21, s20;
	s19 =	simm.s32 $0x3  }
.LBB2_3:
0x1a: {  	s21 =	sshrl.u32 s19, $0x3;
	p0 =	sne.s32 s18, $0x2800  }
0x1b: {  	vm0 =	vgt.f32 v3, v1;
	v4 =	vmov v3;
	v3 =	vld.idx.msk [tilespmem:v0+s20+$0x0 ss:$0x1], $0xffff;
	s20 =	smov.u32 s18;
	s18 =	sadd.s32 $0x80, s18;
	s21 =	smul.u32 $0x5000, s21  }
.Ltmp0:
0x1c: {  	v1 =	vsel vm0, v4, v1;
	v2 =	vsel vm0, s16, v2;
	(pc) =	sbr.rel @p0 .LBB2_3-.Ltmp0, $4  }
0x1d: {  	s16 =	smov.u32 s17;
	s17 =	smov.u32 s19  }
0x1e: {  	s21 =	sshra.s32 s21, $0x2  }
0x1f: {  	s20 =	sand.u32 $0x380, s20;
	s21 =	sadd.s32 s21, s15  }
0x20: {  	s19 =	sadd.s32 $0x1, s19;
	s20 =	sadd.s32 s20, s21  }
0x21: {  	_ =	sdelay $0x3  }
0x22: {  	v0 =	vld.idx.msk [tilespmem:v0+s20+$0x0 ss:$0x1], $0xffff;
	_ =	sdelay $0x2  }
0x23: {  	vm0 =	vgt.f32 v3, v1  }
0x24: {  	s13 =	sadd.s32 $0x1, s13;
	v1 =	vsel vm0, v3, v1  }
0x25: {  	v2 =	vsel vm0, s16, v2;
	p0 =	sne.s32 s13, $0x28;
	vm14 =	vgt.f32 v0, v1  }
.Ltmp1:
0x26: {  	v0 =	vsel vm14, v0, v1;
	v63 =	vsel vm14, s17, v2;
	(pc) =	sbr.rel @p0 .LBB2_2-.Ltmp1, $4  }
0x27: {  	vm15 =	vgt.f32 v0, $5.000000070e-02;
	vm1 =	vne.s32 v63, $0x0;
	v1 =	vcvt.s32.f32 v63  }
0x28: {  	vm0 =	vmand vm15, vm1  }
0x29: {  	v0 =	vnsel vm0, $0xF149F2CA, v0;
	[tilespmem:s14+$0xDE80] =	vst v1  }
0x2a: {  	[tilespmem:s14+$0xDC00] =	vst v0  }
0x2b: {  	[hbm4b:s4+s2] =	stream.linear.scatter [tilespmem:s10], [sflag:$0x1], $0x280, $0x38;
	[tilespmem:$0xE100] =	vst v63  }
0x2c: {  	s12 =	sadd.s32 $0x1, s12;
	_ =	swait.ge [sflag:s9], $0x280  }
0x2d: {  	p0 =	sne.s32 s12, s6;
	[sflag:s9] =	ssyncset.done $0x0  }
.Ltmp2:
0x2e: {  	[sflag:s9] =	ssyncadd.s32 $0xFFFFFD80;
	(pc) =	sbr.rel @p0 .LBB2_1-.Ltmp2, $4  }
0x2f: {  	[hbm4b:s5+s2] =	stream.linear.scatter [tilespmem:s11], [sflag:$0x1], $0x280, $0x38;
	[tilespmem:$0xE100] =	vst v63  }
0x30: {  	_ =	swait.ge [sflag:s9], $0x280  }
0x31: {  	[sflag:s9] =	ssyncset.done $0x0  }
0x32: {  	[sflag:s9] =	ssyncadd.s32 $0xFFFFFD80  }
0x33: {  	_ =	sfence.sel $0x180000  }
0x34: {  	[bflag:$0x0] =	sbarrier.arrive $0xFFFF  }
0x35: {  	p0 =	sne.s32 s0, $0x0;
	_ =	strace $0x90000047  }
0x36: {  	s0 =	sadd.s32 @!p0 $0x100000, s1;
	[bflag:$0x2] =	sbarrier.arrive $0xFFFF  }
0x37: {  	[sflag:s0] =	ssyncadd.tile.s32 @!p0 $0x1;
	_ =	shalt  }
.Lfunc_end2:
_tile_overlayer_lowered:
.L_overlay_start_2:
0x38: {  	(tag) =	ssettag $0x2  }
0x39: {  	s0 =	rddreg [dreg:$0x0];
	s2 =	stileid.u32  }
0x3a: {  	s1 =	rddreg [dreg:$0x1];
	p0 =	sne.s32 s2, $0x0  }
0x3b: {  	s3 =	rddreg [dreg:$0x2];
	[bflag:$0x3] =	sbarrier.arrive $0xFFFF;
	s2 =	simm.s32 @!p0 $0x1C01  }
0x3c: {  	[timem:s3], [sflag:s2] =	dma.local @!p0 [hbm:s0], s1  }
0x3d: {  	s0 =	simm.s32 @!p0 $0x1  }
0x3e: {  	_ =	swait.ge @!p0 [sflag:s0], s1  }
0x3f: {  	s1 =	ssub.s32 @!p0 $0x0, s1;
	[sflag:s0] =	ssyncset.done @!p0 $0x0  }
0x40: {  	[sflag:s0] =	ssyncadd.s32 @!p0 s1  }
0x41: {  	[bflag:$0x3] =	sbarrier.arrive $0xFFFF  }
0x42: {  	_ =	shalt  }

</sc_bundles>
